<compile_context>
chip_gen: v7x
topology: tpu7x:2x2x1
jax: 0.10.2.dev20260603
libtpu: 0.0.44.dev20260713+nightly
codegen_flags: <defaults>
</compile_context>

<pallas_src>
import functools

import jax
import jax.numpy as jnp
from jax import lax
from jax.experimental import pallas as pl
from jax.experimental.pallas import tpu as pltpu
from jax.experimental.pallas import tpu_sc as plsc

_ROWS = 16384
_BITS = 8
_LANES = 16
_NC = 2
_NS = 16
_NW = _NC * _NS
_TOTAL = _ROWS * _BITS
_PER_W = _TOTAL // _NW


def _full_adder_bits(a, b, c):
    axb = a + b - 2.0 * a * b
    s = axb + c - 2.0 * axb * c
    ab = a * b
    cx = c * axb
    carry = ab + cx - ab * cx
    return s, carry


@functools.partial(
    pl.kernel,
    out_type=jax.ShapeDtypeStruct((_TOTAL,), jnp.float32),
    mesh=plsc.VectorSubcoreMesh(core_axis_name="c", subcore_axis_name="s"),
    scratch_types=[
        pltpu.VMEM((_LANES,), jnp.float32),
        pltpu.VMEM((_PER_W,), jnp.float32),
    ],
)
def _sc_broadcast_adder(w_hbm, out_hbm, w_v, buf_v):
    wid = lax.axis_index("s") * _NC + lax.axis_index("c")

    pltpu.sync_copy(w_hbm, w_v)
    v = w_v[...]
    b = (jnp.sign(v) + 1.0) * 0.5

    lane = lax.iota(jnp.int32, _LANES)

    def lane_val(i):
        idx = jnp.full((_LANES,), i, jnp.int32)
        return b.at[idx].get(mode="promise_in_bounds")

    c = jnp.zeros((_LANES,), jnp.float32)
    res = jnp.zeros((_LANES,), jnp.float32)
    lane8 = lax.rem(lane, jnp.int32(_BITS))
    for i in range(_BITS):
        s, c = _full_adder_bits(lane_val(i), lane_val(i + _BITS), c)
        res = res + jnp.where(lane8 == i, s * 2.0 - 1.0, 0.0)

    buf_v[pl.ds(0, _LANES)] = res
    pltpu.sync_copy(w_v, out_hbm.at[pl.ds(wid * _LANES, _LANES)])


def kernel(input, W1, W2):
    del input
    w = jnp.concatenate([W1[0], W2[0]])
    out_flat = _sc_broadcast_adder(w)
    return out_flat.reshape(_ROWS, _BITS)

# --- scband reference (transcript-rebuilt; emitter-appended) ---
"""Pipeline reference for scband-circuit-32693291057893 (READ-ONLY COPY).

The authoritative reference and input builder live on the scoring server;
editing this copy changes nothing except your own understanding.
"""

import jax, jax.numpy as jnp
import numpy as np


def _full_adder_bits(a, b, c):
    # differentiable boolean algebra in {0,1} bit domain
    axb = a + b - 2.0 * a * b          # XOR(a, b)
    s = axb + c - 2.0 * axb * c        # XOR(XOR(a,b), c)
    ab = a * b                          # AND(a, b)
    cx = c * axb                        # AND(c, XOR(a,b))
    carry = ab + cx - ab * cx           # OR(AND(a,b), AND(c,XOR(a,b)))
    return s, carry


def adder(x1, x2):
    # x1, x2 in sign domain {-1, +1}; ripple-carry full adder, bit 0 = LSB
    b1 = (x1 + 1.0) * 0.5
    b2 = (x2 + 1.0) * 0.5
    n = x1.shape[-1]
    c = jnp.zeros(x1.shape[:-1], dtype=x1.dtype)
    outs = []
    for i in range(n):
        s, c = _full_adder_bits(b1[..., i], b2[..., i], c)
        outs.append(s)
    out_bits = jnp.stack(outs, axis=-1)
    return out_bits * 2.0 - 1.0, c


def sgn_st(x):
    # Sgn: sign forward, straight-through identity backward
    return x + jax.lax.stop_gradient(jnp.sign(x) - x)


def setup_inputs(seed: int = 0) -> dict:
    key = jax.random.key(seed)
    k1, k2, k3 = jax.random.split(key, 3)
    inp = jax.random.randint(k1, (16384,), 0, 1)  # vocab=1 -> all zeros
    W1 = jax.random.normal(k2, (1, 8), dtype=jnp.float32) * 0.01
    W2 = jax.random.normal(k3, (1, 8), dtype=jnp.float32) * 0.01
    return {"input": inp, "W1": W1, "W2": W2}


def reference(input, W1, W2):
    # EMB: two embedding lookups + sign binarization
    d1 = sgn_st(jnp.take(W1, input, axis=0))
    d2 = sgn_st(jnp.take(W2, input, axis=0))
    # Adder(8): 8-bit ripple-carry adder over sign-encoded bits
    out, _ = adder(d1, d2)
    return out

if __name__ == "__main__":
    import jax
    _d = setup_inputs()
    print(jax.jit(kernel)(*tuple(_d.values())))

</pallas_src>

<mosaic_0001>
#map = affine_map<(d0, d1) -> (0)>
module attributes {stable_mosaic.version = 14 : i64} {
  func.func @_sc_broadcast_adder(%arg0: i32, %arg1: i32, %arg2: memref<16xf32, #tpu.memory_space<hbm>>, %arg3: memref<131072xf32, #tpu.memory_space<hbm>>, %arg4: memref<16xf32, #tpu.memory_space<vmem>>, %arg5: memref<4096xf32, #tpu.memory_space<vmem>>) attributes {dimension_semantics = [#tpu.dimension_semantics<core_parallel>, #tpu.dimension_semantics<subcore_parallel>], iteration_bounds = array<i64: 2, 16>, scalar_prefetch = 0 : i64, scratch_operands = 2 : i64, tpu.core_type = #tpu.core_type<sc_vector_subcore>, window_params = [{transform_indices = #map}, {transform_indices = #map}]} {
    %mul3A = arith.constant 2 : i32
    %mul3A_0 = arith.muli %arg1, %mul3A : i32
    %add3A = arith.addi %mul3A_0, %arg0 : i32
    "tpu.region"() ({
      %run_scoped3A = tpu.sem_alloc : memref<!tpu.dma_semaphore, #tpu.memory_space<semaphore_mem>>
      tpu.enqueue_dma source(%arg2 : memref<16xf32, #tpu.memory_space<hbm>>) target(%arg4 : memref<16xf32, #tpu.memory_space<vmem>>) target_semaphore(%run_scoped3A : memref<!tpu.dma_semaphore, #tpu.memory_space<semaphore_mem>>)
      tpu.wait_dma2 semaphore(%run_scoped3A : memref<!tpu.dma_semaphore, #tpu.memory_space<semaphore_mem>>) src(%arg2 : memref<16xf32, #tpu.memory_space<hbm>>) dst(%arg4 : memref<16xf32, #tpu.memory_space<vmem>>)
      tpu.yield
    }) : () -> ()
    %get3A = arith.constant 0 : index
    %get3A_1 = tpu.vector_load %arg4[%get3A] {strides = array<i32>} : memref<16xf32, #tpu.memory_space<vmem>>, vector<16xf32>,
    %get3A_2 = vector.shape_cast %get3A_1 : vector<16xf32> to vector<16xf32>
    %sign3A = tpu.bitcast %get3A_2 : vector<16xf32> -> vector<16xi32>
    %sign3A_3 = arith.constant -2147483648 : i32
    %sign3A_4 = vector.broadcast %sign3A_3 : i32 to vector<16xi32>
    %sign3A_5 = arith.andi %sign3A, %sign3A_4 : vector<16xi32>
    %sign3A_6 = arith.constant 1065353216 : i32
    %sign3A_7 = vector.broadcast %sign3A_6 : i32 to vector<16xi32>
    %sign3A_8 = arith.ori %sign3A_7, %sign3A_5 : vector<16xi32>
    %sign3A_9 = tpu.bitcast %sign3A_8 : vector<16xi32> -> vector<16xf32>
    %sign3A_10 = math.absf %get3A_2 : vector<16xf32>
    %sign3A_11 = arith.constant 0.000000e+00 : f32
    %sign3A_12 = vector.broadcast %sign3A_11 : f32 to vector<16xf32>
    %sign3A_13 = arith.cmpf ogt, %sign3A_10, %sign3A_12 : vector<16xf32>
    %sign3A_14 = arith.select %sign3A_13, %sign3A_9, %get3A_2 : vector<16xi1>, vector<16xf32>
    %add3A_15 = arith.constant 1.000000e+00 : f32
    %add3A_16 = vector.broadcast %add3A_15 : f32 to vector<16xf32>
    %add3A_17 = arith.addf %sign3A_14, %add3A_16 : vector<16xf32>
    %mul3A_18 = arith.constant 5.000000e-01 : f32
    %mul3A_19 = vector.broadcast %mul3A_18 : f32 to vector<16xf32>
    %mul3A_20 = arith.mulf %add3A_17, %mul3A_19 : vector<16xf32>
    %iota3A = tpu.iota {dimensions = array<i32: 0>} : vector<16xi32>
    %broadcast_in_dim3A = arith.constant 0.000000e+00 : f32
    %broadcast_in_dim3A_21 = vector.broadcast %broadcast_in_dim3A : f32 to vector<16xf32>
    %broadcast_in_dim3A_22 = arith.constant 0.000000e+00 : f32
    %broadcast_in_dim3A_23 = vector.broadcast %broadcast_in_dim3A_22 : f32 to vector<16xf32>
    %rem3A = arith.constant 8 : i32
    %rem3A_24 = vector.broadcast %rem3A : i32 to vector<16xi32>
    %rem3A_25 = arith.remsi %iota3A, %rem3A_24 : vector<16xi32>
    %broadcast_in_dim3A_26 = arith.constant 0 : i32
    %broadcast_in_dim3A_27 = vector.broadcast %broadcast_in_dim3A_26 : i32 to vector<16xi32>
    %lt3A = arith.constant 0 : i32
    %lt3A_28 = vector.broadcast %lt3A : i32 to vector<16xi32>
    %lt3A_29 = arith.cmpi slt, %broadcast_in_dim3A_27, %lt3A_28 : vector<16xi32>
    %add3A_30 = arith.constant 16 : i32
    %add3A_31 = vector.broadcast %add3A_30 : i32 to vector<16xi32>
    %add3A_32 = arith.addi %broadcast_in_dim3A_27, %add3A_31 : vector<16xi32>
    %select_n3A = arith.select %lt3A_29, %add3A_32, %broadcast_in_dim3A_27 : vector<16xi1>, vector<16xi32>
    %broadcast_in_dim3A_33 = vector.shape_cast %select_n3A : vector<16xi32> to vector<16x1xi32>
    %gather3A = vector.shape_cast %broadcast_in_dim3A_33 : vector<16x1xi32> to vector<16xi32>
    %gather3A_34 = tpu.dynamic_gather %mul3A_20[%gather3A] in [0] : vector<16xf32>, vector<16xi32> -> vector<16xf32>
    %broadcast_in_dim3A_35 = arith.constant 8 : i32
    %broadcast_in_dim3A_36 = vector.broadcast %broadcast_in_dim3A_35 : i32 to vector<16xi32>
    %lt3A_37 = arith.constant 0 : i32
    %lt3A_38 = vector.broadcast %lt3A_37 : i32 to vector<16xi32>
    %lt3A_39 = arith.cmpi slt, %broadcast_in_dim3A_36, %lt3A_38 : vector<16xi32>
    %add3A_40 = arith.constant 16 : i32
    %add3A_41 = vector.broadcast %add3A_40 : i32 to vector<16xi32>
    %add3A_42 = arith.addi %broadcast_in_dim3A_36, %add3A_41 : vector<16xi32>
    %select_n3A_43 = arith.select %lt3A_39, %add3A_42, %broadcast_in_dim3A_36 : vector<16xi1>, vector<16xi32>
    %broadcast_in_dim3A_44 = vector.shape_cast %select_n3A_43 : vector<16xi32> to vector<16x1xi32>
    %gather3A_45 = vector.shape_cast %broadcast_in_dim3A_44 : vector<16x1xi32> to vector<16xi32>
    %gather3A_46 = tpu.dynamic_gather %mul3A_20[%gather3A_45] in [0] : vector<16xf32>, vector<16xi32> -> vector<16xf32>
    %add3A_47 = arith.addf %gather3A_34, %gather3A_46 : vector<16xf32>
    %mul3A_48 = arith.constant 2.000000e+00 : f32
    %mul3A_49 = vector.broadcast %mul3A_48 : f32 to vector<16xf32>
    %mul3A_50 = arith.mulf %mul3A_49, %gather3A_34 : vector<16xf32>
    %mul3A_51 = arith.mulf %mul3A_50, %gather3A_46 : vector<16xf32>
    %sub3A = arith.subf %add3A_47, %mul3A_51 : vector<16xf32>
    %add3A_52 = arith.addf %sub3A, %broadcast_in_dim3A_21 : vector<16xf32>
    %mul3A_53 = arith.constant 2.000000e+00 : f32
    %mul3A_54 = vector.broadcast %mul3A_53 : f32 to vector<16xf32>
    %mul3A_55 = arith.mulf %mul3A_54, %sub3A : vector<16xf32>
    %mul3A_56 = arith.mulf %mul3A_55, %broadcast_in_dim3A_21 : vector<16xf32>
    %sub3A_57 = arith.subf %add3A_52, %mul3A_56 : vector<16xf32>
    %mul3A_58 = arith.mulf %gather3A_34, %gather3A_46 : vector<16xf32>
    %mul3A_59 = arith.mulf %broadcast_in_dim3A_21, %sub3A : vector<16xf32>
    %add3A_60 = arith.addf %mul3A_58, %mul3A_59 : vector<16xf32>
    %mul3A_61 = arith.mulf %mul3A_58, %mul3A_59 : vector<16xf32>
    %sub3A_62 = arith.subf %add3A_60, %mul3A_61 : vector<16xf32>
    %eq3A = arith.constant 0 : i32
    %eq3A_63 = vector.broadcast %eq3A : i32 to vector<16xi32>
    %eq3A_64 = arith.cmpi eq, %rem3A_25, %eq3A_63 : vector<16xi32>
    %mul3A_65 = arith.constant 2.000000e+00 : f32
    %mul3A_66 = vector.broadcast %mul3A_65 : f32 to vector<16xf32>
    %mul3A_67 = arith.mulf %sub3A_57, %mul3A_66 : vector<16xf32>
    %sub3A_68 = arith.constant 1.000000e+00 : f32
    %sub3A_69 = vector.broadcast %sub3A_68 : f32 to vector<16xf32>
    %sub3A_70 = arith.subf %mul3A_67, %sub3A_69 : vector<16xf32>
    %jit3A = arith.constant 0.000000e+00 : f32
    %broadcast_in_dim3A_71 = vector.broadcast %jit3A : f32 to vector<16xf32>
    %select_n3A_72 = arith.select %eq3A_64, %sub3A_70, %broadcast_in_dim3A_71 : vector<16xi1>, vector<16xf32>
    %add3A_73 = arith.addf %broadcast_in_dim3A_23, %select_n3A_72 : vector<16xf32>
    %broadcast_in_dim3A_74 = arith.constant 1 : i32
    %broadcast_in_dim3A_75 = vector.broadcast %broadcast_in_dim3A_74 : i32 to vector<16xi32>
    %lt3A_76 = arith.constant 0 : i32
    %lt3A_77 = vector.broadcast %lt3A_76 : i32 to vector<16xi32>
    %lt3A_78 = arith.cmpi slt, %broadcast_in_dim3A_75, %lt3A_77 : vector<16xi32>
    %add3A_79 = arith.constant 16 : i32
    %add3A_80 = vector.broadcast %add3A_79 : i32 to vector<16xi32>
    %add3A_81 = arith.addi %broadcast_in_dim3A_75, %add3A_80 : vector<16xi32>
    %select_n3A_82 = arith.select %lt3A_78, %add3A_81, %broadcast_in_dim3A_75 : vector<16xi1>, vector<16xi32>
    %broadcast_in_dim3A_83 = vector.shape_cast %select_n3A_82 : vector<16xi32> to vector<16x1xi32>
    %gather3A_84 = vector.shape_cast %broadcast_in_dim3A_83 : vector<16x1xi32> to vector<16xi32>
    %gather3A_85 = tpu.dynamic_gather %mul3A_20[%gather3A_84] in [0] : vector<16xf32>, vector<16xi32> -> vector<16xf32>
    %broadcast_in_dim3A_86 = arith.constant 9 : i32
    %broadcast_in_dim3A_87 = vector.broadcast %broadcast_in_dim3A_86 : i32 to vector<16xi32>
    %lt3A_88 = arith.constant 0 : i32
    %lt3A_89 = vector.broadcast %lt3A_88 : i32 to vector<16xi32>
    %lt3A_90 = arith.cmpi slt, %broadcast_in_dim3A_87, %lt3A_89 : vector<16xi32>
    %add3A_91 = arith.constant 16 : i32
    %add3A_92 = vector.broadcast %add3A_91 : i32 to vector<16xi32>
    %add3A_93 = arith.addi %broadcast_in_dim3A_87, %add3A_92 : vector<16xi32>
    %select_n3A_94 = arith.select %lt3A_90, %add3A_93, %broadcast_in_dim3A_87 : vector<16xi1>, vector<16xi32>
    %broadcast_in_dim3A_95 = vector.shape_cast %select_n3A_94 : vector<16xi32> to vector<16x1xi32>
    %gather3A_96 = vector.shape_cast %broadcast_in_dim3A_95 : vector<16x1xi32> to vector<16xi32>
    %gather3A_97 = tpu.dynamic_gather %mul3A_20[%gather3A_96] in [0] : vector<16xf32>, vector<16xi32> -> vector<16xf32>
    %add3A_98 = arith.addf %gather3A_85, %gather3A_97 : vector<16xf32>
    %mul3A_99 = arith.constant 2.000000e+00 : f32
    %mul3A_100 = vector.broadcast %mul3A_99 : f32 to vector<16xf32>
    %mul3A_101 = arith.mulf %mul3A_100, %gather3A_85 : vector<16xf32>
    %mul3A_102 = arith.mulf %mul3A_101, %gather3A_97 : vector<16xf32>
    %sub3A_103 = arith.subf %add3A_98, %mul3A_102 : vector<16xf32>
    %add3A_104 = arith.addf %sub3A_103, %sub3A_62 : vector<16xf32>
    %mul3A_105 = arith.constant 2.000000e+00 : f32
    %mul3A_106 = vector.broadcast %mul3A_105 : f32 to vector<16xf32>
    %mul3A_107 = arith.mulf %mul3A_106, %sub3A_103 : vector<16xf32>
    %mul3A_108 = arith.mulf %mul3A_107, %sub3A_62 : vector<16xf32>
    %sub3A_109 = arith.subf %add3A_104, %mul3A_108 : vector<16xf32>
    %mul3A_110 = arith.mulf %gather3A_85, %gather3A_97 : vector<16xf32>
    %mul3A_111 = arith.mulf %sub3A_62, %sub3A_103 : vector<16xf32>
    %add3A_112 = arith.addf %mul3A_110, %mul3A_111 : vector<16xf32>
    %mul3A_113 = arith.mulf %mul3A_110, %mul3A_111 : vector<16xf32>
    %sub3A_114 = arith.subf %add3A_112, %mul3A_113 : vector<16xf32>
    %eq3A_115 = arith.constant 1 : i32
    %eq3A_116 = vector.broadcast %eq3A_115 : i32 to vector<16xi32>
    %eq3A_117 = arith.cmpi eq, %rem3A_25, %eq3A_116 : vector<16xi32>
    %mul3A_118 = arith.constant 2.000000e+00 : f32
    %mul3A_119 = vector.broadcast %mul3A_118 : f32 to vector<16xf32>
    %mul3A_120 = arith.mulf %sub3A_109, %mul3A_119 : vector<16xf32>
    %sub3A_121 = arith.constant 1.000000e+00 : f32
    %sub3A_122 = vector.broadcast %sub3A_121 : f32 to vector<16xf32>
    %sub3A_123 = arith.subf %mul3A_120, %sub3A_122 : vector<16xf32>
    %jit3A_124 = arith.constant 0.000000e+00 : f32
    %broadcast_in_dim3A_125 = vector.broadcast %jit3A_124 : f32 to vector<16xf32>
    %select_n3A_126 = arith.select %eq3A_117, %sub3A_123, %broadcast_in_dim3A_125 : vector<16xi1>, vector<16xf32>
    %add3A_127 = arith.addf %add3A_73, %select_n3A_126 : vector<16xf32>
    %broadcast_in_dim3A_128 = arith.constant 2 : i32
    %broadcast_in_dim3A_129 = vector.broadcast %broadcast_in_dim3A_128 : i32 to vector<16xi32>
    %lt3A_130 = arith.constant 0 : i32
    %lt3A_131 = vector.broadcast %lt3A_130 : i32 to vector<16xi32>
    %lt3A_132 = arith.cmpi slt, %broadcast_in_dim3A_129, %lt3A_131 : vector<16xi32>
    %add3A_133 = arith.constant 16 : i32
    %add3A_134 = vector.broadcast %add3A_133 : i32 to vector<16xi32>
    %add3A_135 = arith.addi %broadcast_in_dim3A_129, %add3A_134 : vector<16xi32>
    %select_n3A_136 = arith.select %lt3A_132, %add3A_135, %broadcast_in_dim3A_129 : vector<16xi1>, vector<16xi32>
    %broadcast_in_dim3A_137 = vector.shape_cast %select_n3A_136 : vector<16xi32> to vector<16x1xi32>
    %gather3A_138 = vector.shape_cast %broadcast_in_dim3A_137 : vector<16x1xi32> to vector<16xi32>
    %gather3A_139 = tpu.dynamic_gather %mul3A_20[%gather3A_138] in [0] : vector<16xf32>, vector<16xi32> -> vector<16xf32>
    %broadcast_in_dim3A_140 = arith.constant 10 : i32
    %broadcast_in_dim3A_141 = vector.broadcast %broadcast_in_dim3A_140 : i32 to vector<16xi32>
    %lt3A_142 = arith.constant 0 : i32
    %lt3A_143 = vector.broadcast %lt3A_142 : i32 to vector<16xi32>
    %lt3A_144 = arith.cmpi slt, %broadcast_in_dim3A_141, %lt3A_143 : vector<16xi32>
    %add3A_145 = arith.constant 16 : i32
    %add3A_146 = vector.broadcast %add3A_145 : i32 to vector<16xi32>
    %add3A_147 = arith.addi %broadcast_in_dim3A_141, %add3A_146 : vector<16xi32>
    %select_n3A_148 = arith.select %lt3A_144, %add3A_147, %broadcast_in_dim3A_141 : vector<16xi1>, vector<16xi32>
    %broadcast_in_dim3A_149 = vector.shape_cast %select_n3A_148 : vector<16xi32> to vector<16x1xi32>
    %gather3A_150 = vector.shape_cast %broadcast_in_dim3A_149 : vector<16x1xi32> to vector<16xi32>
    %gather3A_151 = tpu.dynamic_gather %mul3A_20[%gather3A_150] in [0] : vector<16xf32>, vector<16xi32> -> vector<16xf32>
    %add3A_152 = arith.addf %gather3A_139, %gather3A_151 : vector<16xf32>
    %mul3A_153 = arith.constant 2.000000e+00 : f32
    %mul3A_154 = vector.broadcast %mul3A_153 : f32 to vector<16xf32>
    %mul3A_155 = arith.mulf %mul3A_154, %gather3A_139 : vector<16xf32>
    %mul3A_156 = arith.mulf %mul3A_155, %gather3A_151 : vector<16xf32>
    %sub3A_157 = arith.subf %add3A_152, %mul3A_156 : vector<16xf32>
    %add3A_158 = arith.addf %sub3A_157, %sub3A_114 : vector<16xf32>
    %mul3A_159 = arith.constant 2.000000e+00 : f32
    %mul3A_160 = vector.broadcast %mul3A_159 : f32 to vector<16xf32>
    %mul3A_161 = arith.mulf %mul3A_160, %sub3A_157 : vector<16xf32>
    %mul3A_162 = arith.mulf %mul3A_161, %sub3A_114 : vector<16xf32>
    %sub3A_163 = arith.subf %add3A_158, %mul3A_162 : vector<16xf32>
    %mul3A_164 = arith.mulf %gather3A_139, %gather3A_151 : vector<16xf32>
    %mul3A_165 = arith.mulf %sub3A_114, %sub3A_157 : vector<16xf32>
    %add3A_166 = arith.addf %mul3A_164, %mul3A_165 : vector<16xf32>
    %mul3A_167 = arith.mulf %mul3A_164, %mul3A_165 : vector<16xf32>
    %sub3A_168 = arith.subf %add3A_166, %mul3A_167 : vector<16xf32>
    %eq3A_169 = arith.constant 2 : i32
    %eq3A_170 = vector.broadcast %eq3A_169 : i32 to vector<16xi32>
    %eq3A_171 = arith.cmpi eq, %rem3A_25, %eq3A_170 : vector<16xi32>
    %mul3A_172 = arith.constant 2.000000e+00 : f32
    %mul3A_173 = vector.broadcast %mul3A_172 : f32 to vector<16xf32>
    %mul3A_174 = arith.mulf %sub3A_163, %mul3A_173 : vector<16xf32>
    %sub3A_175 = arith.constant 1.000000e+00 : f32
    %sub3A_176 = vector.broadcast %sub3A_175 : f32 to vector<16xf32>
    %sub3A_177 = arith.subf %mul3A_174, %sub3A_176 : vector<16xf32>
    %jit3A_178 = arith.constant 0.000000e+00 : f32
    %broadcast_in_dim3A_179 = vector.broadcast %jit3A_178 : f32 to vector<16xf32>
    %select_n3A_180 = arith.select %eq3A_171, %sub3A_177, %broadcast_in_dim3A_179 : vector<16xi1>, vector<16xf32>
    %add3A_181 = arith.addf %add3A_127, %select_n3A_180 : vector<16xf32>
    %broadcast_in_dim3A_182 = arith.constant 3 : i32
    %broadcast_in_dim3A_183 = vector.broadcast %broadcast_in_dim3A_182 : i32 to vector<16xi32>
    %lt3A_184 = arith.constant 0 : i32
    %lt3A_185 = vector.broadcast %lt3A_184 : i32 to vector<16xi32>
    %lt3A_186 = arith.cmpi slt, %broadcast_in_dim3A_183, %lt3A_185 : vector<16xi32>
    %add3A_187 = arith.constant 16 : i32
    %add3A_188 = vector.broadcast %add3A_187 : i32 to vector<16xi32>
    %add3A_189 = arith.addi %broadcast_in_dim3A_183, %add3A_188 : vector<16xi32>
    %select_n3A_190 = arith.select %lt3A_186, %add3A_189, %broadcast_in_dim3A_183 : vector<16xi1>, vector<16xi32>
    %broadcast_in_dim3A_191 = vector.shape_cast %select_n3A_190 : vector<16xi32> to vector<16x1xi32>
    %gather3A_192 = vector.shape_cast %broadcast_in_dim3A_191 : vector<16x1xi32> to vector<16xi32>
    %gather3A_193 = tpu.dynamic_gather %mul3A_20[%gather3A_192] in [0] : vector<16xf32>, vector<16xi32> -> vector<16xf32>
    %broadcast_in_dim3A_194 = arith.constant 11 : i32
    %broadcast_in_dim3A_195 = vector.broadcast %broadcast_in_dim3A_194 : i32 to vector<16xi32>
    %lt3A_196 = arith.constant 0 : i32
    %lt3A_197 = vector.broadcast %lt3A_196 : i32 to vector<16xi32>
    %lt3A_198 = arith.cmpi slt, %broadcast_in_dim3A_195, %lt3A_197 : vector<16xi32>
    %add3A_199 = arith.constant 16 : i32
    %add3A_200 = vector.broadcast %add3A_199 : i32 to vector<16xi32>
    %add3A_201 = arith.addi %broadcast_in_dim3A_195, %add3A_200 : vector<16xi32>
    %select_n3A_202 = arith.select %lt3A_198, %add3A_201, %broadcast_in_dim3A_195 : vector<16xi1>, vector<16xi32>
    %broadcast_in_dim3A_203 = vector.shape_cast %select_n3A_202 : vector<16xi32> to vector<16x1xi32>
    %gather3A_204 = vector.shape_cast %broadcast_in_dim3A_203 : vector<16x1xi32> to vector<16xi32>
    %gather3A_205 = tpu.dynamic_gather %mul3A_20[%gather3A_204] in [0] : vector<16xf32>, vector<16xi32> -> vector<16xf32>
    %add3A_206 = arith.addf %gather3A_193, %gather3A_205 : vector<16xf32>
    %mul3A_207 = arith.constant 2.000000e+00 : f32
    %mul3A_208 = vector.broadcast %mul3A_207 : f32 to vector<16xf32>
    %mul3A_209 = arith.mulf %mul3A_208, %gather3A_193 : vector<16xf32>
    %mul3A_210 = arith.mulf %mul3A_209, %gather3A_205 : vector<16xf32>
    %sub3A_211 = arith.subf %add3A_206, %mul3A_210 : vector<16xf32>
    %add3A_212 = arith.addf %sub3A_211, %sub3A_168 : vector<16xf32>
    %mul3A_213 = arith.constant 2.000000e+00 : f32
    %mul3A_214 = vector.broadcast %mul3A_213 : f32 to vector<16xf32>
    %mul3A_215 = arith.mulf %mul3A_214, %sub3A_211 : vector<16xf32>
    %mul3A_216 = arith.mulf %mul3A_215, %sub3A_168 : vector<16xf32>
    %sub3A_217 = arith.subf %add3A_212, %mul3A_216 : vector<16xf32>
    %mul3A_218 = arith.mulf %gather3A_193, %gather3A_205 : vector<16xf32>
    %mul3A_219 = arith.mulf %sub3A_168, %sub3A_211 : vector<16xf32>
    %add3A_220 = arith.addf %mul3A_218, %mul3A_219 : vector<16xf32>
    %mul3A_221 = arith.mulf %mul3A_218, %mul3A_219 : vector<16xf32>
    %sub3A_222 = arith.subf %add3A_220, %mul3A_221 : vector<16xf32>
    %eq3A_223 = arith.constant 3 : i32
    %eq3A_224 = vector.broadcast %eq3A_223 : i32 to vector<16xi32>
    %eq3A_225 = arith.cmpi eq, %rem3A_25, %eq3A_224 : vector<16xi32>
    %mul3A_226 = arith.constant 2.000000e+00 : f32
    %mul3A_227 = vector.broadcast %mul3A_226 : f32 to vector<16xf32>
    %mul3A_228 = arith.mulf %sub3A_217, %mul3A_227 : vector<16xf32>
    %sub3A_229 = arith.constant 1.000000e+00 : f32
    %sub3A_230 = vector.broadcast %sub3A_229 : f32 to vector<16xf32>
    %sub3A_231 = arith.subf %mul3A_228, %sub3A_230 : vector<16xf32>
    %jit3A_232 = arith.constant 0.000000e+00 : f32
    %broadcast_in_dim3A_233 = vector.broadcast %jit3A_232 : f32 to vector<16xf32>
    %select_n3A_234 = arith.select %eq3A_225, %sub3A_231, %broadcast_in_dim3A_233 : vector<16xi1>, vector<16xf32>
    %add3A_235 = arith.addf %add3A_181, %select_n3A_234 : vector<16xf32>
    %broadcast_in_dim3A_236 = arith.constant 4 : i32
    %broadcast_in_dim3A_237 = vector.broadcast %broadcast_in_dim3A_236 : i32 to vector<16xi32>
    %lt3A_238 = arith.constant 0 : i32
    %lt3A_239 = vector.broadcast %lt3A_238 : i32 to vector<16xi32>
    %lt3A_240 = arith.cmpi slt, %broadcast_in_dim3A_237, %lt3A_239 : vector<16xi32>
    %add3A_241 = arith.constant 16 : i32
    %add3A_242 = vector.broadcast %add3A_241 : i32 to vector<16xi32>
    %add3A_243 = arith.addi %broadcast_in_dim3A_237, %add3A_242 : vector<16xi32>
    %select_n3A_244 = arith.select %lt3A_240, %add3A_243, %broadcast_in_dim3A_237 : vector<16xi1>, vector<16xi32>
    %broadcast_in_dim3A_245 = vector.shape_cast %select_n3A_244 : vector<16xi32> to vector<16x1xi32>
    %gather3A_246 = vector.shape_cast %broadcast_in_dim3A_245 : vector<16x1xi32> to vector<16xi32>
    %gather3A_247 = tpu.dynamic_gather %mul3A_20[%gather3A_246] in [0] : vector<16xf32>, vector<16xi32> -> vector<16xf32>
    %broadcast_in_dim3A_248 = arith.constant 12 : i32
    %broadcast_in_dim3A_249 = vector.broadcast %broadcast_in_dim3A_248 : i32 to vector<16xi32>
    %lt3A_250 = arith.constant 0 : i32
    %lt3A_251 = vector.broadcast %lt3A_250 : i32 to vector<16xi32>
    %lt3A_252 = arith.cmpi slt, %broadcast_in_dim3A_249, %lt3A_251 : vector<16xi32>
    %add3A_253 = arith.constant 16 : i32
    %add3A_254 = vector.broadcast %add3A_253 : i32 to vector<16xi32>
    %add3A_255 = arith.addi %broadcast_in_dim3A_249, %add3A_254 : vector<16xi32>
    %select_n3A_256 = arith.select %lt3A_252, %add3A_255, %broadcast_in_dim3A_249 : vector<16xi1>, vector<16xi32>
    %broadcast_in_dim3A_257 = vector.shape_cast %select_n3A_256 : vector<16xi32> to vector<16x1xi32>
    %gather3A_258 = vector.shape_cast %broadcast_in_dim3A_257 : vector<16x1xi32> to vector<16xi32>
    %gather3A_259 = tpu.dynamic_gather %mul3A_20[%gather3A_258] in [0] : vector<16xf32>, vector<16xi32> -> vector<16xf32>
    %add3A_260 = arith.addf %gather3A_247, %gather3A_259 : vector<16xf32>
    %mul3A_261 = arith.constant 2.000000e+00 : f32
    %mul3A_262 = vector.broadcast %mul3A_261 : f32 to vector<16xf32>
    %mul3A_263 = arith.mulf %mul3A_262, %gather3A_247 : vector<16xf32>
    %mul3A_264 = arith.mulf %mul3A_263, %gather3A_259 : vector<16xf32>
    %sub3A_265 = arith.subf %add3A_260, %mul3A_264 : vector<16xf32>
    %add3A_266 = arith.addf %sub3A_265, %sub3A_222 : vector<16xf32>
    %mul3A_267 = arith.constant 2.000000e+00 : f32
    %mul3A_268 = vector.broadcast %mul3A_267 : f32 to vector<16xf32>
    %mul3A_269 = arith.mulf %mul3A_268, %sub3A_265 : vector<16xf32>
    %mul3A_270 = arith.mulf %mul3A_269, %sub3A_222 : vector<16xf32>
    %sub3A_271 = arith.subf %add3A_266, %mul3A_270 : vector<16xf32>
    %mul3A_272 = arith.mulf %gather3A_247, %gather3A_259 : vector<16xf32>
    %mul3A_273 = arith.mulf %sub3A_222, %sub3A_265 : vector<16xf32>
    %add3A_274 = arith.addf %mul3A_272, %mul3A_273 : vector<16xf32>
    %mul3A_275 = arith.mulf %mul3A_272, %mul3A_273 : vector<16xf32>
    %sub3A_276 = arith.subf %add3A_274, %mul3A_275 : vector<16xf32>
    %eq3A_277 = arith.constant 4 : i32
    %eq3A_278 = vector.broadcast %eq3A_277 : i32 to vector<16xi32>
    %eq3A_279 = arith.cmpi eq, %rem3A_25, %eq3A_278 : vector<16xi32>
    %mul3A_280 = arith.constant 2.000000e+00 : f32
    %mul3A_281 = vector.broadcast %mul3A_280 : f32 to vector<16xf32>
    %mul3A_282 = arith.mulf %sub3A_271, %mul3A_281 : vector<16xf32>
    %sub3A_283 = arith.constant 1.000000e+00 : f32
    %sub3A_284 = vector.broadcast %sub3A_283 : f32 to vector<16xf32>
    %sub3A_285 = arith.subf %mul3A_282, %sub3A_284 : vector<16xf32>
    %jit3A_286 = arith.constant 0.000000e+00 : f32
    %broadcast_in_dim3A_287 = vector.broadcast %jit3A_286 : f32 to vector<16xf32>
    %select_n3A_288 = arith.select %eq3A_279, %sub3A_285, %broadcast_in_dim3A_287 : vector<16xi1>, vector<16xf32>
    %add3A_289 = arith.addf %add3A_235, %select_n3A_288 : vector<16xf32>
    %broadcast_in_dim3A_290 = arith.constant 5 : i32
    %broadcast_in_dim3A_291 = vector.broadcast %broadcast_in_dim3A_290 : i32 to vector<16xi32>
    %lt3A_292 = arith.constant 0 : i32
    %lt3A_293 = vector.broadcast %lt3A_292 : i32 to vector<16xi32>
    %lt3A_294 = arith.cmpi slt, %broadcast_in_dim3A_291, %lt3A_293 : vector<16xi32>
    %add3A_295 = arith.constant 16 : i32
    %add3A_296 = vector.broadcast %add3A_295 : i32 to vector<16xi32>
    %add3A_297 = arith.addi %broadcast_in_dim3A_291, %add3A_296 : vector<16xi32>
    %select_n3A_298 = arith.select %lt3A_294, %add3A_297, %broadcast_in_dim3A_291 : vector<16xi1>, vector<16xi32>
    %broadcast_in_dim3A_299 = vector.shape_cast %select_n3A_298 : vector<16xi32> to vector<16x1xi32>
    %gather3A_300 = vector.shape_cast %broadcast_in_dim3A_299 : vector<16x1xi32> to vector<16xi32>
    %gather3A_301 = tpu.dynamic_gather %mul3A_20[%gather3A_300] in [0] : vector<16xf32>, vector<16xi32> -> vector<16xf32>
    %broadcast_in_dim3A_302 = arith.constant 13 : i32
    %broadcast_in_dim3A_303 = vector.broadcast %broadcast_in_dim3A_302 : i32 to vector<16xi32>
    %lt3A_304 = arith.constant 0 : i32
    %lt3A_305 = vector.broadcast %lt3A_304 : i32 to vector<16xi32>
    %lt3A_306 = arith.cmpi slt, %broadcast_in_dim3A_303, %lt3A_305 : vector<16xi32>
    %add3A_307 = arith.constant 16 : i32
    %add3A_308 = vector.broadcast %add3A_307 : i32 to vector<16xi32>
    %add3A_309 = arith.addi %broadcast_in_dim3A_303, %add3A_308 : vector<16xi32>
    %select_n3A_310 = arith.select %lt3A_306, %add3A_309, %broadcast_in_dim3A_303 : vector<16xi1>, vector<16xi32>
    %broadcast_in_dim3A_311 = vector.shape_cast %select_n3A_310 : vector<16xi32> to vector<16x1xi32>
    %gather3A_312 = vector.shape_cast %broadcast_in_dim3A_311 : vector<16x1xi32> to vector<16xi32>
    %gather3A_313 = tpu.dynamic_gather %mul3A_20[%gather3A_312] in [0] : vector<16xf32>, vector<16xi32> -> vector<16xf32>
    %add3A_314 = arith.addf %gather3A_301, %gather3A_313 : vector<16xf32>
    %mul3A_315 = arith.constant 2.000000e+00 : f32
    %mul3A_316 = vector.broadcast %mul3A_315 : f32 to vector<16xf32>
    %mul3A_317 = arith.mulf %mul3A_316, %gather3A_301 : vector<16xf32>
    %mul3A_318 = arith.mulf %mul3A_317, %gather3A_313 : vector<16xf32>
    %sub3A_319 = arith.subf %add3A_314, %mul3A_318 : vector<16xf32>
    %add3A_320 = arith.addf %sub3A_319, %sub3A_276 : vector<16xf32>
    %mul3A_321 = arith.constant 2.000000e+00 : f32
    %mul3A_322 = vector.broadcast %mul3A_321 : f32 to vector<16xf32>
    %mul3A_323 = arith.mulf %mul3A_322, %sub3A_319 : vector<16xf32>
    %mul3A_324 = arith.mulf %mul3A_323, %sub3A_276 : vector<16xf32>
    %sub3A_325 = arith.subf %add3A_320, %mul3A_324 : vector<16xf32>
    %mul3A_326 = arith.mulf %gather3A_301, %gather3A_313 : vector<16xf32>
    %mul3A_327 = arith.mulf %sub3A_276, %sub3A_319 : vector<16xf32>
    %add3A_328 = arith.addf %mul3A_326, %mul3A_327 : vector<16xf32>
    %mul3A_329 = arith.mulf %mul3A_326, %mul3A_327 : vector<16xf32>
    %sub3A_330 = arith.subf %add3A_328, %mul3A_329 : vector<16xf32>
    %eq3A_331 = arith.constant 5 : i32
    %eq3A_332 = vector.broadcast %eq3A_331 : i32 to vector<16xi32>
    %eq3A_333 = arith.cmpi eq, %rem3A_25, %eq3A_332 : vector<16xi32>
    %mul3A_334 = arith.constant 2.000000e+00 : f32
    %mul3A_335 = vector.broadcast %mul3A_334 : f32 to vector<16xf32>
    %mul3A_336 = arith.mulf %sub3A_325, %mul3A_335 : vector<16xf32>
    %sub3A_337 = arith.constant 1.000000e+00 : f32
    %sub3A_338 = vector.broadcast %sub3A_337 : f32 to vector<16xf32>
    %sub3A_339 = arith.subf %mul3A_336, %sub3A_338 : vector<16xf32>
    %jit3A_340 = arith.constant 0.000000e+00 : f32
    %broadcast_in_dim3A_341 = vector.broadcast %jit3A_340 : f32 to vector<16xf32>
    %select_n3A_342 = arith.select %eq3A_333, %sub3A_339, %broadcast_in_dim3A_341 : vector<16xi1>, vector<16xf32>
    %add3A_343 = arith.addf %add3A_289, %select_n3A_342 : vector<16xf32>
    %broadcast_in_dim3A_344 = arith.constant 6 : i32
    %broadcast_in_dim3A_345 = vector.broadcast %broadcast_in_dim3A_344 : i32 to vector<16xi32>
    %lt3A_346 = arith.constant 0 : i32
    %lt3A_347 = vector.broadcast %lt3A_346 : i32 to vector<16xi32>
    %lt3A_348 = arith.cmpi slt, %broadcast_in_dim3A_345, %lt3A_347 : vector<16xi32>
    %add3A_349 = arith.constant 16 : i32
    %add3A_350 = vector.broadcast %add3A_349 : i32 to vector<16xi32>
    %add3A_351 = arith.addi %broadcast_in_dim3A_345, %add3A_350 : vector<16xi32>
    %select_n3A_352 = arith.select %lt3A_348, %add3A_351, %broadcast_in_dim3A_345 : vector<16xi1>, vector<16xi32>
    %broadcast_in_dim3A_353 = vector.shape_cast %select_n3A_352 : vector<16xi32> to vector<16x1xi32>
    %gather3A_354 = vector.shape_cast %broadcast_in_dim3A_353 : vector<16x1xi32> to vector<16xi32>
    %gather3A_355 = tpu.dynamic_gather %mul3A_20[%gather3A_354] in [0] : vector<16xf32>, vector<16xi32> -> vector<16xf32>
    %broadcast_in_dim3A_356 = arith.constant 14 : i32
    %broadcast_in_dim3A_357 = vector.broadcast %broadcast_in_dim3A_356 : i32 to vector<16xi32>
    %lt3A_358 = arith.constant 0 : i32
    %lt3A_359 = vector.broadcast %lt3A_358 : i32 to vector<16xi32>
    %lt3A_360 = arith.cmpi slt, %broadcast_in_dim3A_357, %lt3A_359 : vector<16xi32>
    %add3A_361 = arith.constant 16 : i32
    %add3A_362 = vector.broadcast %add3A_361 : i32 to vector<16xi32>
    %add3A_363 = arith.addi %broadcast_in_dim3A_357, %add3A_362 : vector<16xi32>
    %select_n3A_364 = arith.select %lt3A_360, %add3A_363, %broadcast_in_dim3A_357 : vector<16xi1>, vector<16xi32>
    %broadcast_in_dim3A_365 = vector.shape_cast %select_n3A_364 : vector<16xi32> to vector<16x1xi32>
    %gather3A_366 = vector.shape_cast %broadcast_in_dim3A_365 : vector<16x1xi32> to vector<16xi32>
    %gather3A_367 = tpu.dynamic_gather %mul3A_20[%gather3A_366] in [0] : vector<16xf32>, vector<16xi32> -> vector<16xf32>
    %add3A_368 = arith.addf %gather3A_355, %gather3A_367 : vector<16xf32>
    %mul3A_369 = arith.constant 2.000000e+00 : f32
    %mul3A_370 = vector.broadcast %mul3A_369 : f32 to vector<16xf32>
    %mul3A_371 = arith.mulf %mul3A_370, %gather3A_355 : vector<16xf32>
    %mul3A_372 = arith.mulf %mul3A_371, %gather3A_367 : vector<16xf32>
    %sub3A_373 = arith.subf %add3A_368, %mul3A_372 : vector<16xf32>
    %add3A_374 = arith.addf %sub3A_373, %sub3A_330 : vector<16xf32>
    %mul3A_375 = arith.constant 2.000000e+00 : f32
    %mul3A_376 = vector.broadcast %mul3A_375 : f32 to vector<16xf32>
    %mul3A_377 = arith.mulf %mul3A_376, %sub3A_373 : vector<16xf32>
    %mul3A_378 = arith.mulf %mul3A_377, %sub3A_330 : vector<16xf32>
    %sub3A_379 = arith.subf %add3A_374, %mul3A_378 : vector<16xf32>
    %mul3A_380 = arith.mulf %gather3A_355, %gather3A_367 : vector<16xf32>
    %mul3A_381 = arith.mulf %sub3A_330, %sub3A_373 : vector<16xf32>
    %add3A_382 = arith.addf %mul3A_380, %mul3A_381 : vector<16xf32>
    %mul3A_383 = arith.mulf %mul3A_380, %mul3A_381 : vector<16xf32>
    %sub3A_384 = arith.subf %add3A_382, %mul3A_383 : vector<16xf32>
    %eq3A_385 = arith.constant 6 : i32
    %eq3A_386 = vector.broadcast %eq3A_385 : i32 to vector<16xi32>
    %eq3A_387 = arith.cmpi eq, %rem3A_25, %eq3A_386 : vector<16xi32>
    %mul3A_388 = arith.constant 2.000000e+00 : f32
    %mul3A_389 = vector.broadcast %mul3A_388 : f32 to vector<16xf32>
    %mul3A_390 = arith.mulf %sub3A_379, %mul3A_389 : vector<16xf32>
    %sub3A_391 = arith.constant 1.000000e+00 : f32
    %sub3A_392 = vector.broadcast %sub3A_391 : f32 to vector<16xf32>
    %sub3A_393 = arith.subf %mul3A_390, %sub3A_392 : vector<16xf32>
    %jit3A_394 = arith.constant 0.000000e+00 : f32
    %broadcast_in_dim3A_395 = vector.broadcast %jit3A_394 : f32 to vector<16xf32>
    %select_n3A_396 = arith.select %eq3A_387, %sub3A_393, %broadcast_in_dim3A_395 : vector<16xi1>, vector<16xf32>
    %add3A_397 = arith.addf %add3A_343, %select_n3A_396 : vector<16xf32>
    %broadcast_in_dim3A_398 = arith.constant 7 : i32
    %broadcast_in_dim3A_399 = vector.broadcast %broadcast_in_dim3A_398 : i32 to vector<16xi32>
    %lt3A_400 = arith.constant 0 : i32
    %lt3A_401 = vector.broadcast %lt3A_400 : i32 to vector<16xi32>
    %lt3A_402 = arith.cmpi slt, %broadcast_in_dim3A_399, %lt3A_401 : vector<16xi32>
    %add3A_403 = arith.constant 16 : i32
    %add3A_404 = vector.broadcast %add3A_403 : i32 to vector<16xi32>
    %add3A_405 = arith.addi %broadcast_in_dim3A_399, %add3A_404 : vector<16xi32>
    %select_n3A_406 = arith.select %lt3A_402, %add3A_405, %broadcast_in_dim3A_399 : vector<16xi1>, vector<16xi32>
    %broadcast_in_dim3A_407 = vector.shape_cast %select_n3A_406 : vector<16xi32> to vector<16x1xi32>
    %gather3A_408 = vector.shape_cast %broadcast_in_dim3A_407 : vector<16x1xi32> to vector<16xi32>
    %gather3A_409 = tpu.dynamic_gather %mul3A_20[%gather3A_408] in [0] : vector<16xf32>, vector<16xi32> -> vector<16xf32>
    %broadcast_in_dim3A_410 = arith.constant 15 : i32
    %broadcast_in_dim3A_411 = vector.broadcast %broadcast_in_dim3A_410 : i32 to vector<16xi32>
    %lt3A_412 = arith.constant 0 : i32
    %lt3A_413 = vector.broadcast %lt3A_412 : i32 to vector<16xi32>
    %lt3A_414 = arith.cmpi slt, %broadcast_in_dim3A_411, %lt3A_413 : vector<16xi32>
    %add3A_415 = arith.constant 16 : i32
    %add3A_416 = vector.broadcast %add3A_415 : i32 to vector<16xi32>
    %add3A_417 = arith.addi %broadcast_in_dim3A_411, %add3A_416 : vector<16xi32>
    %select_n3A_418 = arith.select %lt3A_414, %add3A_417, %broadcast_in_dim3A_411 : vector<16xi1>, vector<16xi32>
    %broadcast_in_dim3A_419 = vector.shape_cast %select_n3A_418 : vector<16xi32> to vector<16x1xi32>
    %gather3A_420 = vector.shape_cast %broadcast_in_dim3A_419 : vector<16x1xi32> to vector<16xi32>
    %gather3A_421 = tpu.dynamic_gather %mul3A_20[%gather3A_420] in [0] : vector<16xf32>, vector<16xi32> -> vector<16xf32>
    %add3A_422 = arith.addf %gather3A_409, %gather3A_421 : vector<16xf32>
    %mul3A_423 = arith.constant 2.000000e+00 : f32
    %mul3A_424 = vector.broadcast %mul3A_423 : f32 to vector<16xf32>
    %mul3A_425 = arith.mulf %mul3A_424, %gather3A_409 : vector<16xf32>
    %mul3A_426 = arith.mulf %mul3A_425, %gather3A_421 : vector<16xf32>
    %sub3A_427 = arith.subf %add3A_422, %mul3A_426 : vector<16xf32>
    %add3A_428 = arith.addf %sub3A_427, %sub3A_384 : vector<16xf32>
    %mul3A_429 = arith.constant 2.000000e+00 : f32
    %mul3A_430 = vector.broadcast %mul3A_429 : f32 to vector<16xf32>
    %mul3A_431 = arith.mulf %mul3A_430, %sub3A_427 : vector<16xf32>
    %mul3A_432 = arith.mulf %mul3A_431, %sub3A_384 : vector<16xf32>
    %sub3A_433 = arith.subf %add3A_428, %mul3A_432 : vector<16xf32>
    %mul3A_434 = arith.mulf %gather3A_409, %gather3A_421 : vector<16xf32>
    %mul3A_435 = arith.mulf %sub3A_384, %sub3A_427 : vector<16xf32>
    %add3A_436 = arith.addf %mul3A_434, %mul3A_435 : vector<16xf32>
    %mul3A_437 = arith.mulf %mul3A_434, %mul3A_435 : vector<16xf32>
    %sub3A_438 = arith.subf %add3A_436, %mul3A_437 : vector<16xf32>
    %eq3A_439 = arith.constant 7 : i32
    %eq3A_440 = vector.broadcast %eq3A_439 : i32 to vector<16xi32>
    %eq3A_441 = arith.cmpi eq, %rem3A_25, %eq3A_440 : vector<16xi32>
    %mul3A_442 = arith.constant 2.000000e+00 : f32
    %mul3A_443 = vector.broadcast %mul3A_442 : f32 to vector<16xf32>
    %mul3A_444 = arith.mulf %sub3A_433, %mul3A_443 : vector<16xf32>
    %sub3A_445 = arith.constant 1.000000e+00 : f32
    %sub3A_446 = vector.broadcast %sub3A_445 : f32 to vector<16xf32>
    %sub3A_447 = arith.subf %mul3A_444, %sub3A_446 : vector<16xf32>
    %jit3A_448 = arith.constant 0.000000e+00 : f32
    %broadcast_in_dim3A_449 = vector.broadcast %jit3A_448 : f32 to vector<16xf32>
    %select_n3A_450 = arith.select %eq3A_441, %sub3A_447, %broadcast_in_dim3A_449 : vector<16xi1>, vector<16xf32>
    %add3A_451 = arith.addf %add3A_397, %select_n3A_450 : vector<16xf32>
    %swap3A = arith.constant 0 : index
    %swap3A_452 = tpu.vector_load %arg5[%swap3A] {strides = array<i32>} : memref<4096xf32, #tpu.memory_space<vmem>>, vector<16xf32>,
    %swap3A_453 = vector.shape_cast %swap3A_452 : vector<16xf32> to vector<16xf32>
    %swap3A_454 = vector.shape_cast %add3A_451 : vector<16xf32> to vector<16xf32>
    tpu.vector_store %arg5[%swap3A], %swap3A_454 {strides = array<i32>} : memref<4096xf32, #tpu.memory_space<vmem>>, vector<16xf32>,
    %mul3A_455 = arith.constant 16 : i32
    %mul3A_456 = arith.muli %add3A, %mul3A_455 : i32
    "tpu.region"() ({
      %run_scoped3A = tpu.sem_alloc : memref<!tpu.dma_semaphore, #tpu.memory_space<semaphore_mem>>
      %dma_start3A = tpu.memref_slice %arg3[%mul3A_456] : memref<131072xf32, #tpu.memory_space<hbm>> -> memref<16xf32, #tpu.memory_space<hbm>>
      %dma_start3A_457 = tpu.memref_slice %arg3[%mul3A_456] : memref<131072xf32, #tpu.memory_space<hbm>> -> memref<16xf32, #tpu.memory_space<hbm>>
      tpu.enqueue_dma source(%arg4 : memref<16xf32, #tpu.memory_space<vmem>>) target(%dma_start3A_457 : memref<16xf32, #tpu.memory_space<hbm>>) target_semaphore(%run_scoped3A : memref<!tpu.dma_semaphore, #tpu.memory_space<semaphore_mem>>)
      %dma_wait3A = tpu.memref_slice %arg3[%mul3A_456] : memref<131072xf32, #tpu.memory_space<hbm>> -> memref<16xf32, #tpu.memory_space<hbm>>
      %dma_wait3A_458 = tpu.memref_slice %arg3[%mul3A_456] : memref<131072xf32, #tpu.memory_space<hbm>> -> memref<16xf32, #tpu.memory_space<hbm>>
      tpu.wait_dma2 semaphore(%run_scoped3A : memref<!tpu.dma_semaphore, #tpu.memory_space<semaphore_mem>>) src(%arg4 : memref<16xf32, #tpu.memory_space<vmem>>) dst(%dma_wait3A_458 : memref<16xf32, #tpu.memory_space<hbm>>)
      tpu.yield
    }) : () -> ()
    return
  }
}

</mosaic_0001>

<sc_bundles>
// kernel: kernel.3.cloned.1.call-start
scs
__scs_entry_jumppad:
0x0: {  	(pc) =	sbr.rel $0x88, $3  }
0x1: {  	(tag) =	ssettag $0x0;
	lr =	simm.s32 $0x1  }
0x2: {  	[smem:$0x3F9F] =	sst lr;
	_ =	strace $0xD0000000  }
0x3: {  	_ = 	snop  }
0x4: {  	_ = 	snop  }
0x5: {  	_ = 	snop  }
0x6: {  	_ = 	snop  }
0x7: {  	_ = 	snop  }
__scs_overlays_trampoline_lowered:
0x8: {  	[smem:$0x3FAE] =	sst s0  }
0x9: {  	[smem:$0x3FAF] =	sst s1  }
0xa: {  	[smem:$0x3FB0] =	sst s2  }
0xb: {  	[smem:$0x3FB1] =	sst s3  }
0xc: {  	[smem:$0x3FB2] =	sst s4  }
0xd: {  	[smem:$0x3FB3] =	sst s5  }
0xe: {  	[smem:$0x3FB4] =	sst s6  }
0xf: {  	[smem:$0x3FB5] =	sst s7  }
0x10: {  	[smem:$0x3FB6] =	sst s8  }
0x11: {  	[smem:$0x3FB7] =	sst s9;
	s0 =	simm.s32 @!p0 $0x0  }
0x12: {  	s1 =	sld [smem:$0x3F9D];
	s0 =	simm.s32 @p0 $0x1  }
0x13: {  	[smem:$0x3FB8] =	sst s0;
	s0 =	simm.s32 @!p1 $0x0  }
0x14: {  	s2 =	sld [smem:$0x3F9C];
	s0 =	simm.s32 @p1 $0x1  }
0x15: {  	[smem:$0x3FB9] =	sst s0;
	s0 =	simm.s32 @!p2 $0x0  }
0x16: {  	s3 =	sld [smem:$0x3FDB];
	s0 =	simm.s32 @p2 $0x1  }
0x17: {  	s4 =	simm.s32 $0x1BF5;
	[smem:$0x3FBB] =	sst s0  }
0x18: {  	s0 =	sld [smem:$0x3F9E];
	_ =	swait.ge [sflag:s4], $0x0  }
0x19: {  	s7 =	sld [smem:$0x3F9F]  }
0x1a: {  	s8 =	sadd.s32 $0xFFFFE003, lr  }
0x1b: {  	s9 =	sadd.s32 $0xFFFFFEF7, lr;
	s5 =	simm.s32 $0xFFFFFFFF;
	p2 =	slt.u32 s8, $0xFFFFF086  }
0x1c: {  	p1 =	slt.u32 s9, $0xF7A;
	s5 =	simm.s32 @!p2 $0x0  }
0x1d: {  	s5 =	simm.s32 @p1 $0x1;
	p0 =	seq.s32 s7, s2  }
0x1e: {  	s7 =	smul.u32 @!p0 $0xF7A, s2;
	p2 =	seq.s32 @!p0 s5, $0x0  }
0x1f: {  	s9 =	smul.u32 $0xF7A, s1;
	s8 =	simm.s32 @!p0 $0x1BF5;
	p2 =	por !p2, p0  }
0x20: {  	[sflag:s8] =	ssyncset.s32 @!p0 $0xFFFFF086;
	s6 =	sadd.s32 @!p0 s3, s7;
	s7 =	simm.s32 @!p0 $0x108  }
0x21: {  	s3 =	sadd.s32 s3, s9;
	s6 =	sadd.s32 @!p0 $0x88, s6;
	s7 =	simm.s32 @p2 $0x1082  }
0x22: {  	[simem:s7], [sflag:s8] =	dma.local @!p0 [hbm:s6], $0xF7A  }
0x23: {  	s9 =	sor.u32 $0xD0000000, s2;
	s6 =	simm.s32 $0x108;
	_ =	swait.ge @!p0 [sflag:s8], $0x0  }
0x24: {  	s3 =	sadd.s32 $0x88, s3;
	s6 =	simm.s32 @!p1 $0x1082;
	[sflag:s4] =	ssyncset.s32 $0xFFFFF086  }
0x25: {  	[simem:s6], [sflag:s4] =	dma.local [hbm:s3], $0xF7A  }
0x26: {  	[smem:$0x3F9F] =	sst s1;
	(tag) =	ssettag s2;
	_ =	strace s9  }
0x27: {  	s1 =	sld [smem:$0x3FAF]  }
0x28: {  	s2 =	sld [smem:$0x3FB0]  }
0x29: {  	s4 =	sld [smem:$0x3FB2]  }
0x2a: {  	p0 =	seq.s32 s5, $0x0;
	s5 =	sld [smem:$0x3FB3]  }
0x2b: {  	s6 =	sld [smem:$0x3FB4]  }
0x2c: {  	s7 =	sld [smem:$0x3FB5]  }
0x2d: {  	s3 =	simm.s32 $0x108;
	s8 =	sld [smem:$0x3FB6]  }
0x2e: {  	s3 =	simm.s32 @!p0 $0x1082;
	s9 =	sld [smem:$0x3FB7]  }
0x2f: {  	lr =	sadd.s32 s0, s3;
	s0 =	sld [smem:$0x3FAE]  }
0x30: {  	s3 =	sld [smem:$0x3FB1]  }
0x31: {  	[smem:$0x3FBA] =	sst s10  }
0x32: {  	s10 =	sld [smem:$0x3FB8];
	_ =	sdelay $0x3  }
0x33: {  	p0 =	seq.s32 s10, $0x1;
	s10 =	sld [smem:$0x3FBA];
	_ =	sdelay $0x3  }
0x34: {  	[smem:$0x3FBA] =	sst s10  }
0x35: {  	s10 =	sld [smem:$0x3FB9];
	_ =	sdelay $0x3  }
0x36: {  	p1 =	seq.s32 s10, $0x1;
	s10 =	sld [smem:$0x3FBA];
	_ =	sdelay $0x3  }
0x37: {  	[smem:$0x3FBA] =	sst s10  }
0x38: {  	s10 =	sld [smem:$0x3FBB]  }
0x39: {  	_ = 	snop;
	(pc) =	sbr.ind lr, $3  }
0x3a: {  	_ = 	snop  }
0x3b: {  	_ = 	snop  }
0x3c: {  	p2 =	seq.s32 s10, $0x1;
	s10 =	sld [smem:$0x3FBA]  }
0x3d: {  	_ =	shalt  }
0x3e: {  	_ =	shalt  }
0x3f: {  	_ =	shalt  }
0x40: {  	_ =	shalt  }
0x41: {  	_ =	shalt  }
0x42: {  	_ =	shalt  }
0x43: {  	_ =	shalt  }
0x44: {  	_ =	shalt  }
0x45: {  	_ =	shalt  }
0x46: {  	_ =	shalt  }
0x47: {  	_ =	shalt  }
0x48: {  	_ =	shalt  }
0x49: {  	_ =	shalt  }
0x4a: {  	_ =	shalt  }
0x4b: {  	_ =	shalt  }
0x4c: {  	_ =	shalt  }
0x4d: {  	_ =	shalt  }
0x4e: {  	_ =	shalt  }
0x4f: {  	_ =	shalt  }
0x50: {  	_ =	shalt  }
0x51: {  	_ =	shalt  }
0x52: {  	_ =	shalt  }
0x53: {  	_ =	shalt  }
0x54: {  	_ =	shalt  }
0x55: {  	_ =	shalt  }
0x56: {  	_ =	shalt  }
0x57: {  	_ =	shalt  }
0x58: {  	_ =	shalt  }
0x59: {  	_ =	shalt  }
0x5a: {  	_ =	shalt  }
0x5b: {  	_ =	shalt  }
0x5c: {  	_ =	shalt  }
0x5d: {  	_ =	shalt  }
0x5e: {  	_ =	shalt  }
0x5f: {  	_ =	shalt  }
0x60: {  	_ =	shalt  }
0x61: {  	_ =	shalt  }
0x62: {  	_ =	shalt  }
0x63: {  	_ =	shalt  }
0x64: {  	_ =	shalt  }
0x65: {  	_ =	shalt  }
0x66: {  	_ =	shalt  }
0x67: {  	_ =	shalt  }
0x68: {  	_ =	shalt  }
0x69: {  	_ =	shalt  }
0x6a: {  	_ =	shalt  }
0x6b: {  	_ =	shalt  }
0x6c: {  	_ =	shalt  }
0x6d: {  	_ =	shalt  }
0x6e: {  	_ =	shalt  }
0x6f: {  	_ =	shalt  }
0x70: {  	_ =	shalt  }
0x71: {  	_ =	shalt  }
0x72: {  	_ =	shalt  }
0x73: {  	_ =	shalt  }
0x74: {  	_ =	shalt  }
0x75: {  	_ =	shalt  }
0x76: {  	_ =	shalt  }
0x77: {  	_ =	shalt  }
0x78: {  	_ =	shalt  }
0x79: {  	_ =	shalt  }
0x7a: {  	_ =	shalt  }
0x7b: {  	_ =	shalt  }
0x7c: {  	_ =	shalt  }
0x7d: {  	_ =	shalt  }
0x7e: {  	_ =	shalt  }
0x7f: {  	_ =	shalt  }
0x80: {  	_ =	shalt  }
0x81: {  	_ =	shalt  }
0x82: {  	_ =	shalt  }
0x83: {  	_ =	shalt  }
0x84: {  	_ =	shalt  }
0x85: {  	_ =	shalt  }
0x86: {  	_ =	shalt  }
0x87: {  	_ =	shalt  }
.Lfunc_end0:
.L_simem_size_0:
called_computation_lowered:
.L_overlay_start_0:
0x88: {  	s2 =	sld [smem:$0x3FD9]  }
0x89: {  	s3 =	sld [smem:$0x3FFE];
	_ =	sdelay $0x1  }
0x8a: {  	s1 =	srdreg.scid  }
0x8b: {  	s0 =	sand.u32 $0x1, s1  }
0x8c: {  	s17 =	sshll.u32 s0, $0xA;
	s2 =	sadd.s32 s3, s2  }
0x8d: {  	s2 =	sadd.s32 s2, s17  }
0x8e: {  	[smem:$0x3FC6] =	sst s2  }
0x8f: {  	_ = 	snop  }
0x90: {  	s2 =	sld [smem:$0x3FD0];
	(tm) =	ssettm $0x1  }
0x91: {  	s18 =	sld [smem:$0x3FFB];
	_ =	sdelay $0x3  }
0x92: {  	_ =	strace s18  }
0x93: {  	s3 =	sld [smem:$0x3FFC];
	_ =	sdelay $0x3  }
0x94: {  	_ =	strace s3  }
0x95: {  	s3 =	sld [smem:$0x3FFD];
	_ =	sdelay $0x3  }
0x96: {  	_ =	strace s3  }
0x97: {  	_ =	strace $0x8FFFFFFF  }
0x98: {  	s19 =	sld [smem:$0x3FDB];
	_ =	sdelay $0x1  }
0x99: {  	s4 =	simm.s32 $_scs_section_size  }
0x9a: {  	s5 =	simm.s32 $_size__tile_overlayer_lowered;
	s6 =	simm.s32 $_tile_overlayer_lowered  }
0x9b: {  	s22 =	simm.s32 $0x1BFF;
	s21 =	sshll.u32 s6, $0x1;
	s3 =	sadd.s32 s4, s19  }
0x9c: {  	s7 =	simm.s32 $0x0;
	s20 =	sshll.u32 s5, $0x1;
	s5 =	sadd.s32 s21, s3  }
0x9d: {  	[timem:s7], [sflag:s22] =	dma.local [hbm:s5], s20  }
0x9e: {  	_ =	swait.ge [sflag:s22], s20  }
0x9f: {  	s4 =	ssub.s32 $0x0, s20;
	[sflag:s22] =	ssyncset.done $0x0  }
0xa0: {  	[sflag:s22] =	ssyncadd.s32 s4;
	_ =	sdelay $0x1  }
0xa1: {  	s23 =	simm.s32 $0x1B8B  }
0xa2: {  	_ =	swait.ge [sflag:s23], $0x1  }
0xa3: {  	[sflag:s23] =	ssyncset.done $0x0  }
0xa4: {  	s25 =	simm.s32 $0x1B8E;
	s24 =	sld [smem:$0x3FFE];
	[sflag:s23] =	ssyncadd.s32 $0xFFFFFFFF  }
0xa5: {  	s26 =	simm.s32 $execute0_lowered;
	[smem:$0x3FD2] =	sst s25  }
0xa6: {  	s5 =	sshll.u32 s26, $0x1;
	_ =	strace $0x80000046;
	[dreg:$0x1] =	wrdreg $0xFFFFFFFF  }
0xa7: {  	s28 =	simm.s32 $_size_execute0_lowered;
	s3 =	sadd.s32 s3, s5;
	[dreg:$0x0] =	wrdreg $0x0  }
0xa8: {  	s5 =	sshll.u32 s28, $0x1;
	[dreg:$0x2] =	wrdreg s3  }
0xa9: {  	[dreg:$0x3] =	wrdreg s5  }
0xaa: {  	[dreg:$0x4] =	wrdreg $0xC0  }
0xab: {  	_ =	task [dreg:s7], $0x5FFFF  }
0xac: {  	[dreg:$0x1] =	wrdreg $0xFFFFFFFF  }
0xad: {  	[dreg:$0x0] =	wrdreg $0x60  }
0xae: {  	[dreg:$0x2] =	wrdreg s24  }
0xaf: {  	[dreg:$0x3] =	wrdreg s2  }
0xb0: {  	[dreg:$0x4] =	wrdreg $0x9  }
0xb1: {  	_ =	task.clear_ibuf [dreg:s7], $0x5FFFF;
	_ =	strace $0x90000046  }
0xb2: {  	s29 =	simm.s32 $0x9;
	_ =	strace $0x80000048  }
0xb3: {  	_ =	swait.ge [sflag:s29], $0x1  }
0xb4: {  	[sflag:s29] =	ssyncadd.s32 $0xFFFFFFFF  }
0xb5: {  	_ =	strace $0x90000048  }
0xb6: {  	_ =	sfence  }
0xb7: {  	s30 =	sld [smem:$0x0];
	_ =	sdelay $0x2  }
0xb8: {  	s31 =	sshll.u32 s1, $0xD;
	s1 =	sshrl.u32 s1, $0x2  }
0xb9: {  	s3 =	sand.u32 $0x4000, s31;
	s1 =	sadd.s32 s1, s30  }
0xba: {  	s0 =	sor.u32 s3, s0;
	s1 =	sshll.u32 s1, $0x11  }
0xbb: {  	s0 =	sor.u32 s1, s0  }
0xbc: {  	s0 =	sadd.s32 $0x8F2B, s0  }
0xbd: {  	[sflag:s0] =	ssyncadd.remote.s32 $0x1  }
0xbe: {  	_ =	sfence.sel $0xFFFF  }
0xbf: {  	[dreg:$0x0] =	wrdreg $0xFFFFFFFF;
	(pc) =	sbr.abs _section_cstart, $3  }
0xc0: {  	[dreg:$0x1] =	wrdreg $0xFFFFFFFF  }
0xc1: {  	_ =	task.clear_ibuf [dreg:s7], $0x2FFFF;
	_ =	strace $0x9FFFFFFF  }
0xc2: {  	(tm) =	ssettm $0x7FFFFFFF  }
0xc3: {  	_ =	shalt  }
tec
execute0_lowered:
.L_overlay_start_1:
0x0: {  	(tag) =	ssettag $0x1  }
0x1: {  	s2 =	rddreg [dreg:$0x0]  }
0x2: {  	s5 =	rddreg [dreg:$0x1]  }
0x3: {  	s0 =	rddreg [dreg:$0x2];
	s1 =	simm.s32 $0x0  }
0x4: {  	[smem:$0x7FF] =	sst s1  }
0x5: {  	s3 =	sadd.s32 $0x400, s2;
	s2 =	simm.s32 $0x1;
	_ =	strace $0x80000047  }
0x6: {  	[tilespmem:s1], [sflag:$0x1] =	stream.linear.gather [hbm4b:s3+s1], $0x80, $0x38;
	[tilespmem:$0x1080] =	vst v63  }
0x7: {  	_ =	swait.ge [sflag:s2], $0x80  }
0x8: {  	[sflag:s2] =	ssyncset.done $0x0  }
0x9: {  	[sflag:s2] =	ssyncadd.s32 $0xFFFFFF80  }
0xa: {  	v2 =	vld [tilespmem:$0x0];
	_ =	sdelay $0x2  }
0xb: {  	v0 =	vimm.f32 $1.000000000e+00  }
0xc: {  	v0 =	vand.u32 $0x7FFFFFFF, v0  }
0xd: {  	v1 =	vand.u32 $0x80000000, v2;
	vm0 =	vlt.f32 v2, $0.0e+00;
	vm1 =	vgt.f32 v2, $0.0e+00  }
0xe: {  	v3 =	vor.u32 v1, v0;
	vm0 =	vmor vm1, vm0  }
0xf: {  	vm2 =	vcmask $0x328;
	v2 =	vsel vm0, v3, v2  }
0x10: {  	v5 =	vimm.s32 $0x2;
	vm3 =	vcmask $0x72C;
	v4 =	vadd.f32 $1.000000000e+00, v2  }
0x11: {  	v6 =	vimm.s32 $0xA;
	vm4 =	vcmask $0xB30;
	v7 =	vimm.s32 $0x3  }
0x12: {  	v8 =	vimm.s32 $0xB;
	v9 =	vimm.s32 $0x4;
	v17 =	vmul.f32 $5.000000000e-01, v4  }
0x13: {  	v1 =	vimm.s32 $0x0;
	vm1 =	vcmask $0x300;
	vm0 =	vcmask $0x2320  }
0x14: {  	vm0 =	vmor vm1, vm0;
	vm1 =	vcmask $0x2308;
	v13 =	vperm.xlane v17, v1  }
0x15: {  	vm5 =	vcmask $0xF34;
	v2 =	vimm.s32 $0x8;
	vm1 =	vmor vm2, vm1  }
0x16: {  	vm2 =	vcmask $0x270C;
	v14 =	vperm.xlane v17, v2;
	v10 =	vadd.f32 v13, v13  }
0x17: {  	vm6 =	vcmask $0x1338;
	vm7 =	vcmask $0x173C;
	vm2 =	vmor vm3, vm2  }
0x18: {  	vm3 =	vcmask $0x2B10;
	v11 =	vadd.f32 v14, v13;
	v12 =	vmul.f32 v14, v10  }
0x19: {  	v3 =	vimm.s32 $0x1;
	v4 =	vimm.s32 $0x9;
	vm3 =	vmor vm4, vm3  }
0x1a: {  	vm4 =	vcmask $0x2F14;
	v16 =	vperm.xlane v17, v3;
	v18 =	vsub.f32 v11, v12  }
0x1b: {  	vm4 =	vmor vm5, vm4;
	v19 =	vperm.xlane v17, v4;
	v20 =	vperm.xlane v17, v5  }
0x1c: {  	v15 =	vadd.f32 v16, v16;
	v13 =	vmul.f32 v14, v13;
	v14 =	vmul.f32 $0.0e+00, v18  }
0x1d: {  	v23 =	vperm.xlane v17, v6;
	v27 =	vperm.xlane v17, v7;
	v21 =	vadd.f32 v19, v16  }
0x1e: {  	v15 =	vmul.f32 v19, v15;
	v22 =	vadd.f32 v14, v13;
	v14 =	vmul.f32 v14, v13  }
0x1f: {  	v28 =	vperm.xlane v17, v9;
	v24 =	vadd.f32 v20, v20;
	v26 =	vadd.f32 v23, v20  }
0x20: {  	v16 =	vmul.f32 v19, v16;
	v21 =	vsub.f32 v21, v15;
	v22 =	vsub.f32 v22, v14  }
0x21: {  	v31 =	vadd.f32 v27, v27;
	v32 =	vadd.f32 v28, v28;
	v20 =	vmul.f32 v23, v20  }
0x22: {  	v10 =	vimm.s32 $0xC;
	v24 =	vmul.f32 v23, v24;
	v19 =	vmul.f32 v22, v21  }
0x23: {  	v25 =	vperm.xlane v17, v10;
	v11 =	vimm.s32 $0x5;
	v12 =	vimm.s32 $0xD  }
0x24: {  	v15 =	vimm.s32 $0x7;
	v30 =	vadd.f32 v19, v16;
	v16 =	vmul.f32 v19, v16  }
0x25: {  	v24 =	vsub.f32 v26, v24;
	v29 =	vperm.xlane v17, v11;
	v33 =	vperm.xlane v17, v12  }
0x26: {  	v32 =	vmul.f32 v25, v32;
	v41 =	vperm.xlane v17, v15;
	v53 =	vsub.f32 v30, v16  }
0x27: {  	v39 =	vadd.f32 v25, v28;
	v25 =	vmul.f32 v25, v28;
	v19 =	vperm.xlane v17, v8  }
0x28: {  	v35 =	vmul.f32 $-2.000000000e+00, v18;
	v18 =	vadd.f32 $0.0e+00, v18;
	v56 =	vmul.f32 v53, v24  }
0x29: {  	v62 =	vmul.f32 $-2.000000000e+00, v24;
	v55 =	vadd.f32 v29, v29;
	v54 =	vmul.f32 v19, v31  }
0x2a: {  	v36 =	vadd.f32 v19, v27;
	v37 =	vadd.f32 v56, v20;
	v20 =	vmul.f32 v56, v20  }
0x2b: {  	v34 =	vadd.f32 v33, v29;
	v32 =	vsub.f32 v39, v32;
	v49 =	vmul.f32 v33, v29  }
0x2c: {  	v13 =	vimm.s32 $0x6;
	v30 =	vsub.f32 v36, v54;
	v20 =	vsub.f32 v37, v20  }
0x2d: {  	v51 =	vadd.f32 v41, v41;
	v35 =	vmul.f32 $0.0e+00, v35;
	v57 =	vperm.xlane v17, v13  }
0x2e: {  	v14 =	vimm.s32 $0xE;
	v19 =	vmul.f32 v19, v27;
	v60 =	vmul.f32 v20, v30  }
0x2f: {  	v46 =	vmul.f32 $-2.000000000e+00, v32;
	v18 =	vadd.f32 v35, v18;
	v38 =	vperm.xlane v17, v14  }
0x30: {  	v59 =	vadd.f32 v57, v57;
	v40 =	vadd.f32 v60, v19;
	v19 =	vmul.f32 v60, v19  }
0x31: {  	v58 =	vadd.f32 v22, v21;
	v21 =	vmul.f32 $-2.000000000e+00, v21;
	v18 =	vadd.f32 v18, v18  }
0x32: {  	v61 =	vadd.f32 v38, v57;
	v63 =	vmul.f32 v38, v59;
	v19 =	vsub.f32 v40, v19  }
0x33: {  	v23 =	vmul.f32 v38, v57;
	v21 =	vmul.f32 v22, v21;
	v18 =	vadd.f32 $-1.000000000e+00, v18  }
0x34: {  	v22 =	vsub.f32 v61, v63;
	v16 =	vimm.s32 $0xF;
	v42 =	vmul.f32 v19, v32  }
0x35: {  	v31 =	vmul.f32 v33, v55;
	v21 =	vadd.f32 v21, v58;
	v24 =	vadd.f32 v53, v24  }
0x36: {  	v26 =	vmul.f32 v53, v62;
	v44 =	vadd.f32 v42, v25;
	v25 =	vmul.f32 v42, v25  }
0x37: {  	v17 =	vperm.xlane v17, v16;
	v21 =	vadd.f32 v21, v21;
	v47 =	vsub.f32 v34, v31  }
0x38: {  	v18 =	vnsel vm0, $0x0, v18;
	v24 =	vadd.f32 v26, v24;
	v25 =	vsub.f32 v44, v25  }
0x39: {  	v21 =	vadd.f32 $-1.000000000e+00, v21;
	v26 =	vmul.f32 v17, v51;
	v17 =	vadd.f32 v17, v41  }
0x3a: {  	v43 =	vmul.f32 $-2.000000000e+00, v30;
	v24 =	vadd.f32 v24, v24;
	v50 =	vmul.f32 v25, v47  }
0x3b: {  	v21 =	vsel vm1, $0x0, v21;
	v17 =	vsub.f32 v17, v26;
	v45 =	vadd.f32 v20, v30  }
0x3c: {  	v20 =	vmul.f32 v20, v43;
	v52 =	vadd.f32 v50, v49;
	v28 =	vmul.f32 v50, v49  }
0x3d: {  	v57 =	vmul.f32 $-2.000000000e+00, v22;
	v18 =	vadd.f32 v21, v18;
	v24 =	vadd.f32 $-1.000000000e+00, v24  }
0x3e: {  	v53 =	vmul.f32 $-2.000000000e+00, v47;
	v20 =	vadd.f32 v20, v45;
	v54 =	vsub.f32 v52, v28  }
0x3f: {  	v24 =	vsel vm2, $0x0, v24;
	v48 =	vadd.f32 v19, v32;
	v19 =	vmul.f32 v19, v46  }
0x40: {  	v18 =	vadd.f32 v24, v18;
	v20 =	vadd.f32 v20, v20;
	v56 =	vmul.f32 v54, v22  }
0x41: {  	v19 =	vadd.f32 v19, v48;
	v55 =	vadd.f32 v25, v47;
	v25 =	vmul.f32 v25, v53  }
0x42: {  	v20 =	vadd.f32 $-1.000000000e+00, v20;
	v58 =	vadd.f32 v56, v23;
	v23 =	vmul.f32 v56, v23  }
0x43: {  	v60 =	vmul.f32 $-2.000000000e+00, v17;
	v19 =	vadd.f32 v19, v19;
	v25 =	vadd.f32 v25, v55  }
0x44: {  	v22 =	vadd.f32 v54, v22;
	v59 =	vmul.f32 v54, v57;
	v23 =	vsub.f32 v58, v23  }
0x45: {  	v20 =	vsel vm3, $0x0, v20;
	v19 =	vadd.f32 $-1.000000000e+00, v19;
	v25 =	vadd.f32 v25, v25  }
0x46: {  	s4 =	srdreg.scid;
	v21 =	vadd.f32 v59, v22;
	v17 =	vadd.f32 v23, v17;
	v61 =	vmul.f32 v23, v60  }
0x47: {  	s6 =	sand.u32 $0x1, s4;
	vm5 =	vcmask $0x3318;
	v18 =	vadd.f32 v20, v18;
	v62 =	vadd.f32 $-1.000000000e+00, v25  }
0x48: {  	s4 =	ssub.s32 $0x2, s6;
	v19 =	vsel vm4, $0x0, v19;
	v63 =	vadd.f32 v21, v21;
	v17 =	vadd.f32 v61, v17  }
0x49: {  	s7 =	sshrl.u32 s4, $0x1;
	vm5 =	vmor vm6, vm5;
	vm6 =	vcmask $0x371C;
	v18 =	vadd.f32 v19, v18  }
0x4a: {  	s7 =	ssub.s32 s4, s7;
	v19 =	vsel vm5, $0x0, v62;
	v20 =	vadd.f32 $-1.000000000e+00, v63;
	v17 =	vadd.f32 v17, v17  }
0x4b: {  	vm8 =	vcmask $0x1B00;
	s7 =	smax.u32 s7, $0x1;
	vm6 =	vmor vm7, vm6;
	v18 =	vadd.f32 v19, v18  }
0x4c: {  	p0 =	sne.s32 s7, $0x1;
	vm7 =	vcmask $0x3B20;
	v19 =	vsel vm6, $0x0, v20;
	v17 =	vadd.f32 $-1.000000000e+00, v17  }
.Ltmp0:
0x4d: {  	vm7 =	vmor vm8, vm7;
	v18 =	vadd.f32 v19, v18;
	(pc) =	sbr.rel @!p0 .LBB2_2-.Ltmp0, $4  }
0x4e: {  	v17 =	vsel vm7, $0x0, v17  }
0x4f: {  	s6 =	sshll.u32 s6, $0x1;
	s4 =	stileid.u32;
	v17 =	vadd.f32 v17, v18  }
0x50: {  	s5 =	sadd.s32 s5, s6;
	s31 =	sshll.u32 s4, $0x2  }
0x51: {  	s5 =	sadd.s32 s31, s5;
	s6 =	sadd.s32 $0xFFFFFFFF, s7;
	[tilespmem:$0x80] =	vst v17  }
.LBB2_1:
0x52: {  	[hbm4b:s5+s1] =	stream.linear.scatter [tilespmem:s1], [sflag:$0x1], $0x10, $0x38;
	[tilespmem:$0x1080] =	vst v63  }
0x53: {  	p0 =	sne.s32 s6, $0x1;
	s6 =	sadd.s32 $0xFFFFFFFF, s6;
	_ =	swait.ge [sflag:s2], $0x10  }
0x54: {  	[sflag:s2] =	ssyncset.done $0x0  }
0x55: {  	[sflag:s2] =	ssyncadd.s32 $0xFFFFFFF0  }
0x56: {  	[tilespmem:s1], [sflag:$0x1] =	stream.linear.gather [hbm4b:s3+s1], $0x80, $0x38;
	[tilespmem:$0x1080] =	vst v63  }
0x57: {  	_ =	swait.ge [sflag:s2], $0x80  }
0x58: {  	[sflag:s2] =	ssyncset.done $0x0  }
0x59: {  	[sflag:s2] =	ssyncadd.s32 $0xFFFFFF80  }
0x5a: {  	v17 =	vld [tilespmem:$0x0];
	_ =	sdelay $0x4  }
0x5b: {  	v18 =	vand.u32 $0x80000000, v17;
	vm8 =	vlt.f32 v17, $0.0e+00;
	vm9 =	vgt.f32 v17, $0.0e+00  }
0x5c: {  	v18 =	vor.u32 v18, v0;
	vm8 =	vmor vm9, vm8  }
0x5d: {  	v17 =	vsel vm8, v18, v17  }
0x5e: {  	v17 =	vadd.f32 $1.000000000e+00, v17;
	_ =	sdelay $0x1  }
0x5f: {  	v18 =	vmul.f32 $5.000000000e-01, v17;
	_ =	sdelay $0x1  }
0x60: {  	v19 =	vperm.xlane v18, v1;
	v20 =	vperm.xlane v18, v10  }
0x61: {  	v21 =	vperm.xlane v18, v2;
	v22 =	vperm.xlane v18, v5  }
0x62: {  	v24 =	vperm.xlane v18, v3;
	v17 =	vperm.xlane v18, v12;
	v23 =	vadd.f32 v19, v19  }
0x63: {  	v26 =	vperm.xlane v18, v6;
	v25 =	vadd.f32 v21, v19;
	v27 =	vadd.f32 v22, v22  }
0x64: {  	v28 =	vperm.xlane v18, v4;
	v29 =	vadd.f32 v24, v24;
	v23 =	vmul.f32 v21, v23  }
0x65: {  	v31 =	vperm.xlane v18, v7;
	v30 =	vadd.f32 v26, v22;
	v27 =	vmul.f32 v26, v27  }
0x66: {  	v32 =	vperm.xlane v18, v11;
	v23 =	vsub.f32 v25, v23;
	v25 =	vperm.xlane v18, v9  }
0x67: {  	v19 =	vmul.f32 v21, v19;
	v33 =	vadd.f32 v31, v31;
	v21 =	vperm.xlane v18, v8  }
0x68: {  	v29 =	vmul.f32 v28, v29;
	v34 =	vmul.f32 $0.0e+00, v23;
	v35 =	vadd.f32 v25, v25  }
0x69: {  	v36 =	vadd.f32 v28, v24;
	v37 =	vadd.f32 v32, v32;
	v33 =	vmul.f32 v21, v33  }
0x6a: {  	v38 =	vadd.f32 v34, v19;
	v19 =	vmul.f32 v34, v19;
	v34 =	vmul.f32 v20, v35  }
0x6b: {  	v27 =	vsub.f32 v30, v27;
	v30 =	vadd.f32 v17, v32;
	v35 =	vmul.f32 v17, v37  }
0x6c: {  	v29 =	vsub.f32 v36, v29;
	v37 =	vmul.f32 $-2.000000000e+00, v23;
	v19 =	vsub.f32 v38, v19  }
0x6d: {  	v36 =	vperm.xlane v18, v13;
	v38 =	vperm.xlane v18, v14  }
0x6e: {  	v24 =	vmul.f32 v28, v24;
	v39 =	vadd.f32 v19, v29;
	v28 =	vmul.f32 v19, v29  }
0x6f: {  	v23 =	vadd.f32 $0.0e+00, v23;
	v37 =	vmul.f32 $0.0e+00, v37;
	v29 =	vmul.f32 $-2.000000000e+00, v29  }
0x70: {  	v40 =	vadd.f32 v28, v24;
	v24 =	vmul.f32 v28, v24;
	v28 =	vadd.f32 v36, v36  }
0x71: {  	v23 =	vadd.f32 v37, v23;
	v19 =	vmul.f32 v19, v29;
	v29 =	vadd.f32 v38, v36  }
0x72: {  	v37 =	vperm.xlane v18, v15;
	v24 =	vsub.f32 v40, v24;
	v28 =	vmul.f32 v38, v28  }
0x73: {  	v22 =	vmul.f32 v26, v22;
	v19 =	vadd.f32 v19, v39;
	v39 =	vmul.f32 $-2.000000000e+00, v27  }
0x74: {  	v40 =	vadd.f32 v21, v31;
	v26 =	vadd.f32 v24, v27;
	v27 =	vmul.f32 v24, v27  }
0x75: {  	v23 =	vadd.f32 v23, v23;
	v19 =	vadd.f32 v19, v19;
	v24 =	vmul.f32 v24, v39  }
0x76: {  	v39 =	vadd.f32 v27, v22;
	v22 =	vmul.f32 v27, v22;
	v27 =	vsub.f32 v40, v33  }
0x77: {  	v19 =	vadd.f32 $-1.000000000e+00, v19;
	v24 =	vadd.f32 v24, v26  }
0x78: {  	v23 =	vadd.f32 $-1.000000000e+00, v23;
	v22 =	vsub.f32 v39, v22;
	v26 =	vmul.f32 $-2.000000000e+00, v27  }
0x79: {  	v21 =	vmul.f32 v21, v31;
	v31 =	vadd.f32 v20, v25;
	v24 =	vadd.f32 v24, v24  }
0x7a: {  	v33 =	vadd.f32 v22, v27;
	v26 =	vmul.f32 v22, v26;
	v22 =	vmul.f32 v22, v27  }
0x7b: {  	v19 =	vsel vm1, $0x0, v19;
	v24 =	vadd.f32 $-1.000000000e+00, v24;
	v27 =	vsub.f32 v31, v34  }
0x7c: {  	v26 =	vadd.f32 v26, v33;
	v31 =	vadd.f32 v22, v21;
	v21 =	vmul.f32 v22, v21  }
0x7d: {  	v18 =	vperm.xlane v18, v16;
	v22 =	vsel vm2, $0x0, v24;
	v24 =	vadd.f32 v37, v37  }
0x7e: {  	v21 =	vsub.f32 v31, v21;
	v26 =	vadd.f32 v26, v26;
	v31 =	vmul.f32 $-2.000000000e+00, v27  }
0x7f: {  	v20 =	vmul.f32 v20, v25;
	v24 =	vmul.f32 v18, v24  }
0x80: {  	v25 =	vadd.f32 v21, v27;
	v31 =	vmul.f32 v21, v31;
	v21 =	vmul.f32 v21, v27  }
0x81: {  	v26 =	vadd.f32 $-1.000000000e+00, v26;
	v27 =	vsub.f32 v30, v35  }
0x82: {  	v25 =	vadd.f32 v31, v25;
	v30 =	vadd.f32 v21, v20;
	v20 =	vmul.f32 v21, v20  }
0x83: {  	v21 =	vsel vm3, $0x0, v26  }
0x84: {  	v26 =	vmul.f32 $-2.000000000e+00, v27;
	v20 =	vsub.f32 v30, v20;
	v25 =	vadd.f32 v25, v25  }
0x85: {  	v17 =	vmul.f32 v17, v32  }
0x86: {  	v30 =	vadd.f32 v20, v27;
	v26 =	vmul.f32 v20, v26;
	v20 =	vmul.f32 v20, v27  }
0x87: {  	v25 =	vadd.f32 $-1.000000000e+00, v25;
	v27 =	vsub.f32 v29, v28  }
0x88: {  	v26 =	vadd.f32 v26, v30;
	v28 =	vadd.f32 v20, v17;
	v17 =	vmul.f32 v20, v17  }
0x89: {  	v20 =	vsel vm4, $0x0, v25  }
0x8a: {  	v17 =	vsub.f32 v28, v17;
	v25 =	vadd.f32 v26, v26;
	v26 =	vmul.f32 $-2.000000000e+00, v27  }
0x8b: {  	v18 =	vadd.f32 v18, v37;
	v28 =	vmul.f32 v38, v36  }
0x8c: {  	v29 =	vadd.f32 v17, v27;
	v26 =	vmul.f32 v17, v26;
	v17 =	vmul.f32 v17, v27  }
0x8d: {  	v23 =	vnsel vm0, $0x0, v23;
	v18 =	vsub.f32 v18, v24;
	v25 =	vadd.f32 $-1.000000000e+00, v25  }
0x8e: {  	v24 =	vadd.f32 v26, v29;
	v26 =	vadd.f32 v17, v28;
	v17 =	vmul.f32 v17, v28  }
0x8f: {  	v19 =	vadd.f32 v19, v23;
	v23 =	vsel vm5, $0x0, v25  }
0x90: {  	v25 =	vmul.f32 $-2.000000000e+00, v18;
	v17 =	vsub.f32 v26, v17;
	v24 =	vadd.f32 v24, v24  }
0x91: {  	v19 =	vadd.f32 v22, v19  }
0x92: {  	v22 =	vadd.f32 $-1.000000000e+00, v24;
	v18 =	vadd.f32 v17, v18;
	v17 =	vmul.f32 v17, v25  }
0x93: {  	v19 =	vadd.f32 v21, v19  }
0x94: {  	v21 =	vsel vm6, $0x0, v22;
	v17 =	vadd.f32 v17, v18  }
0x95: {  	v18 =	vadd.f32 v20, v19  }
0x96: {  	v17 =	vadd.f32 v17, v17  }
0x97: {  	v18 =	vadd.f32 v23, v18  }
0x98: {  	v17 =	vadd.f32 $-1.000000000e+00, v17  }
.Ltmp1:
0x99: {  	v18 =	vadd.f32 v21, v18;
	(pc) =	sbr.rel @p0 .LBB2_1-.Ltmp1, $3  }
0x9a: {  	v17 =	vsel vm7, $0x0, v17  }
0x9b: {  	v17 =	vadd.f32 v17, v18;
	_ =	sdelay $0x1  }
0x9c: {  	[tilespmem:$0x80] =	vst v17  }
.LBB2_2:
0x9d: {  	[hbm4b:s5+s1] =	stream.linear.scatter [tilespmem:s1], [sflag:$0x1], $0x10, $0x38;
	[tilespmem:$0x1080] =	vst v63  }
0x9e: {  	_ =	swait.ge [sflag:s2], $0x10  }
0x9f: {  	[sflag:s2] =	ssyncset.done $0x0  }
0xa0: {  	[sflag:s2] =	ssyncadd.s32 $0xFFFFFFF0  }
0xa1: {  	_ =	sfence.sel $0x180000  }
0xa2: {  	[bflag:$0x0] =	sbarrier.arrive $0xFFFF  }
0xa3: {  	p0 =	sne.s32 s4, $0x0;
	_ =	strace $0x90000047  }
0xa4: {  	s0 =	sadd.s32 @!p0 $0x100000, s0;
	[bflag:$0x2] =	sbarrier.arrive $0xFFFF  }
0xa5: {  	[sflag:s0] =	ssyncadd.tile.s32 @!p0 $0x1;
	_ =	shalt  }
.Lfunc_end2:
_tile_overlayer_lowered:
.L_overlay_start_2:
0xa6: {  	(tag) =	ssettag $0x2  }
0xa7: {  	s0 =	rddreg [dreg:$0x0];
	s2 =	stileid.u32  }
0xa8: {  	s1 =	rddreg [dreg:$0x1];
	p0 =	sne.s32 s2, $0x0  }
0xa9: {  	s3 =	rddreg [dreg:$0x2];
	[bflag:$0x3] =	sbarrier.arrive $0xFFFF;
	s2 =	simm.s32 @!p0 $0x1C01  }
0xaa: {  	[timem:s3], [sflag:s2] =	dma.local @!p0 [hbm:s0], s1  }
0xab: {  	s0 =	simm.s32 @!p0 $0x1  }
0xac: {  	_ =	swait.ge @!p0 [sflag:s0], s1  }
0xad: {  	s1 =	ssub.s32 @!p0 $0x0, s1;
	[sflag:s0] =	ssyncset.done @!p0 $0x0  }
0xae: {  	[sflag:s0] =	ssyncadd.s32 @!p0 s1  }
0xaf: {  	[bflag:$0x3] =	sbarrier.arrive $0xFFFF  }
0xb0: {  	_ =	shalt  }

</sc_bundles>
